<compile_context>
chip_gen: v7x
topology: tpu7x:2x2x1
jax: 0.10.2.dev20260603
libtpu: 0.0.44.dev20260713+nightly
codegen_flags: <defaults>
</compile_context>

<pallas_src>
import functools

import jax
import jax.numpy as jnp
from jax import lax
from jax.experimental import pallas as pl
from jax.experimental.pallas import tpu as pltpu
from jax.experimental.pallas import tpu_sc as plsc

B = 64
DOC = 4096
NOPT = 16
NWORD = 4
TABLE = 50048
NC, NS, L = 2, 16, 16
NW = NC * NS
B_PER_W = B // NW


def _sc_kernel(doc_idx_hbm, doc_prob_hbm, opt_hbm, out_hbm,
               table_v, table2_v, idx_v, prob_v, opt_v, out_v,
               sem_opt, sem_b0, sem_b1):
    wid = lax.axis_index("s") * NC + lax.axis_index("c")
    b0 = wid * B_PER_W
    sems = [sem_b0, sem_b1]
    cp_opt = pltpu.make_async_copy(opt_hbm.at[pl.ds(b0, B_PER_W)], opt_v, sem_opt)
    cp_opt.start()
    copies = []
    for bi in range(B_PER_W):
        ci = pltpu.make_async_copy(doc_idx_hbm.at[b0 + bi], idx_v.at[bi], sems[bi])
        cp = pltpu.make_async_copy(doc_prob_hbm.at[b0 + bi], prob_v.at[bi], sems[bi])
        ci.start()
        cp.start()
        copies.append((ci, cp))

    zeros = jnp.zeros((L,), jnp.float32)
    one = jnp.ones((L,), jnp.float32)
    lanes4 = lax.iota(jnp.int32, L) * NWORD
    tables = [table_v, table2_v]

    cp_opt.wait()
    opt_vecs = [[], []]
    for bi in range(B_PER_W):
        bvec = jnp.full((L,), bi, jnp.int32)
        for w in range(NWORD):
            ow = plsc.load_gather(opt_v, [bvec, lanes4 + w])
            opt_vecs[bi].append(ow)
            plsc.store_scatter(tables[bi], [ow], zeros)

    for bi in range(B_PER_W):
        copies[bi][0].wait()
        copies[bi][1].wait()

        def body(i, bi=bi):
            di = idx_v[bi, pl.ds(i * L, L)]
            pv = prob_v[bi, pl.ds(i * L, L)]
            plsc.addupdate_scatter(tables[bi], [di], pv)

        plsc.parallel_loop(0, DOC // L, 1, unroll=8)(body)

    for bi in range(B_PER_W):
        num = zeros
        den = zeros
        for w in range(NWORD):
            ow = opt_vecs[bi][w]
            num = num + plsc.load_gather(tables[bi], [ow])
            den = den + jnp.where(ow != 0, one, zeros)
        out_v[bi, :] = num / den
    pltpu.sync_copy(out_v, out_hbm.at[pl.ds(b0, B_PER_W)])


def kernel(document_indices, document_probabilities, options):
    opt_q = options.reshape(B, NOPT * NWORD)
    mesh = plsc.VectorSubcoreMesh(core_axis_name="c", subcore_axis_name="s",
                                  num_cores=NC, num_subcores=NS)
    run = functools.partial(
        pl.kernel,
        out_type=jax.ShapeDtypeStruct((B, NOPT), jnp.float32),
        mesh=mesh,
        compiler_params=pltpu.CompilerParams(
            needs_layout_passes=False,
            skip_device_barrier=True,
            disable_bounds_checks=True,
            disable_semaphore_checks=True,
        ),
        scratch_types=[
            pltpu.VMEM((TABLE,), jnp.float32),
            pltpu.VMEM((TABLE,), jnp.float32),
            pltpu.VMEM((B_PER_W, DOC), jnp.int32),
            pltpu.VMEM((B_PER_W, DOC), jnp.float32),
            pltpu.VMEM((B_PER_W, NOPT * NWORD), jnp.int32),
            pltpu.VMEM((B_PER_W, NOPT), jnp.float32),
            pltpu.SemaphoreType.DMA,
            pltpu.SemaphoreType.DMA,
            pltpu.SemaphoreType.DMA,
        ],
    )(_sc_kernel)
    return run(document_indices, document_probabilities, opt_q)

# --- scband reference (transcript-rebuilt; emitter-appended) ---
"""Pipeline reference for scband-option-attention-sum-7919919694186 (READ-ONLY COPY).

The authoritative reference and input builder live on the scoring server;
editing this copy changes nothing except your own understanding.
"""

import jax, jax.numpy as jnp
import numpy as np


def setup_inputs(seed: int = 0) -> dict:
    key = jax.random.key(seed)
    k1, k2, k3 = jax.random.split(key, 3)
    document_indices = jax.random.randint(k1, (64, 4096), 0, 50000, dtype=jnp.int32)
    document_probabilities = jax.random.uniform(k2, (64, 4096), dtype=jnp.float32)
    options = jax.random.randint(k3, (64, 16, 4), 0, 50000, dtype=jnp.int32)
    return {
        "document_indices": document_indices,
        "document_probabilities": document_probabilities,
        "options": options,
    }


def reference(document_indices, document_probabilities, options):
    # options_words_mask: (B, n_opts, n_words, doc_len) — 1 where option word matches doc word
    options_words_mask = (options[:, :, :, None] == document_indices[:, None, None, :]).astype(jnp.float32)
    # select probabilities of matching document positions and sum over doc_len
    selected_probabilities = options_words_mask * document_probabilities[:, None, None, :]
    options_word_probabilities = jnp.sum(selected_probabilities, axis=3)  # (B, n_opts, n_words)
    sum_option_words_probabilities = jnp.sum(options_word_probabilities, axis=2)  # (B, n_opts)
    # multiword_option_mode == 'mean': divide by number of non-padding (nonzero) words
    option_mask = (options != 0).astype(jnp.float32)
    divisor = jnp.sum(option_mask, axis=2)
    option_probabilities = sum_option_words_probabilities / divisor
    return option_probabilities

if __name__ == "__main__":
    import jax
    _d = setup_inputs()
    print(jax.jit(kernel)(*tuple(_d.values())))

</pallas_src>

<mosaic_0001>
#map = affine_map<(d0, d1) -> (0, 0)>
module attributes {stable_mosaic.version = 14 : i64} {
  func.func @_sc_kernel(%arg0: i32, %arg1: i32, %arg2: memref<64x4096xi32, #tpu.memory_space<hbm>>, %arg3: memref<64x4096xf32, #tpu.memory_space<hbm>>, %arg4: memref<64x64xi32, #tpu.memory_space<hbm>>, %arg5: memref<64x16xf32, #tpu.memory_space<hbm>>, %arg6: memref<50048xf32, #tpu.memory_space<vmem>>, %arg7: memref<50048xf32, #tpu.memory_space<vmem>>, %arg8: memref<2x4096xi32, #tpu.memory_space<vmem>>, %arg9: memref<2x4096xf32, #tpu.memory_space<vmem>>, %arg10: memref<2x64xi32, #tpu.memory_space<vmem>>, %arg11: memref<2x16xf32, #tpu.memory_space<vmem>>, %arg12: memref<!tpu.dma_semaphore, #tpu.memory_space<semaphore_mem>>, %arg13: memref<!tpu.dma_semaphore, #tpu.memory_space<semaphore_mem>>, %arg14: memref<!tpu.dma_semaphore, #tpu.memory_space<semaphore_mem>>) attributes {dimension_semantics = [#tpu.dimension_semantics<core_parallel>, #tpu.dimension_semantics<subcore_parallel>], iteration_bounds = array<i64: 2, 16>, scalar_prefetch = 0 : i64, scratch_operands = 9 : i64, tpu.core_type = #tpu.core_type<sc_vector_subcore>, window_params = [{transform_indices = #map}, {transform_indices = #map}, {transform_indices = #map}, {transform_indices = #map}]} {
    %mul3A = arith.constant 2 : i32
    %mul3A_0 = arith.muli %arg1, %mul3A : i32
    %add3A = arith.addi %mul3A_0, %arg0 : i32
    %mul3A_1 = arith.constant 2 : i32
    %mul3A_2 = arith.muli %add3A, %mul3A_1 : i32
    %dma_start3A = arith.constant 0 : i32
    %dma_start3A_3 = tpu.memref_slice %arg4[%mul3A_2, %dma_start3A] : memref<64x64xi32, #tpu.memory_space<hbm>> -> memref<2x64xi32, #tpu.memory_space<hbm>>
    %dma_start3A_4 = arith.constant 0 : i32
    %dma_start3A_5 = tpu.memref_slice %arg4[%mul3A_2, %dma_start3A_4] : memref<64x64xi32, #tpu.memory_space<hbm>> -> memref<2x64xi32, #tpu.memory_space<hbm>>
    tpu.enqueue_dma source(%dma_start3A_5 : memref<2x64xi32, #tpu.memory_space<hbm>>) target(%arg10 : memref<2x64xi32, #tpu.memory_space<vmem>>) target_semaphore(%arg12 : memref<!tpu.dma_semaphore, #tpu.memory_space<semaphore_mem>>)
    %add3A_6 = arith.constant 0 : i32
    %add3A_7 = arith.addi %mul3A_2, %add3A_6 : i32
    %add3A_8 = arith.constant 0 : i32
    %add3A_9 = arith.addi %mul3A_2, %add3A_8 : i32
    %dma_start3A_10 = arith.constant 0 : i32
    %dma_start3A_11 = arith.constant 0 : i32
    %dma_start3A_12 = tpu.memref_slice %arg8[%dma_start3A_10, %dma_start3A_11] : memref<2x4096xi32, #tpu.memory_space<vmem>> -> memref<1x4096xi32, #tpu.memory_space<vmem>>
    %dma_start3A_13 = tpu.memref_squeeze %dma_start3A_12 : memref<1x4096xi32, #tpu.memory_space<vmem>> -> memref<4096xi32, #tpu.memory_space<vmem>>
    %dma_start3A_14 = arith.constant 0 : i32
    %dma_start3A_15 = tpu.memref_slice %arg2[%add3A_7, %dma_start3A_14] : memref<64x4096xi32, #tpu.memory_space<hbm>> -> memref<1x4096xi32, #tpu.memory_space<hbm>>
    %dma_start3A_16 = tpu.memref_squeeze %dma_start3A_15 : memref<1x4096xi32, #tpu.memory_space<hbm>> -> memref<4096xi32, #tpu.memory_space<hbm>>
    %dma_start3A_17 = arith.constant 0 : i32
    %dma_start3A_18 = tpu.memref_slice %arg8[%dma_start3A_10, %dma_start3A_17] : memref<2x4096xi32, #tpu.memory_space<vmem>> -> memref<1x4096xi32, #tpu.memory_space<vmem>>
    %dma_start3A_19 = tpu.memref_squeeze %dma_start3A_18 : memref<1x4096xi32, #tpu.memory_space<vmem>> -> memref<4096xi32, #tpu.memory_space<vmem>>
    %dma_start3A_20 = arith.constant 0 : i32
    %dma_start3A_21 = tpu.memref_slice %arg2[%add3A_7, %dma_start3A_20] : memref<64x4096xi32, #tpu.memory_space<hbm>> -> memref<1x4096xi32, #tpu.memory_space<hbm>>
    %dma_start3A_22 = tpu.memref_squeeze %dma_start3A_21 : memref<1x4096xi32, #tpu.memory_space<hbm>> -> memref<4096xi32, #tpu.memory_space<hbm>>
    tpu.enqueue_dma source(%dma_start3A_22 : memref<4096xi32, #tpu.memory_space<hbm>>) target(%dma_start3A_19 : memref<4096xi32, #tpu.memory_space<vmem>>) target_semaphore(%arg13 : memref<!tpu.dma_semaphore, #tpu.memory_space<semaphore_mem>>)
    %dma_start3A_23 = arith.constant 0 : i32
    %dma_start3A_24 = arith.constant 0 : i32
    %dma_start3A_25 = tpu.memref_slice %arg9[%dma_start3A_23, %dma_start3A_24] : memref<2x4096xf32, #tpu.memory_space<vmem>> -> memref<1x4096xf32, #tpu.memory_space<vmem>>
    %dma_start3A_26 = tpu.memref_squeeze %dma_start3A_25 : memref<1x4096xf32, #tpu.memory_space<vmem>> -> memref<4096xf32, #tpu.memory_space<vmem>>
    %dma_start3A_27 = arith.constant 0 : i32
    %dma_start3A_28 = tpu.memref_slice %arg3[%add3A_9, %dma_start3A_27] : memref<64x4096xf32, #tpu.memory_space<hbm>> -> memref<1x4096xf32, #tpu.memory_space<hbm>>
    %dma_start3A_29 = tpu.memref_squeeze %dma_start3A_28 : memref<1x4096xf32, #tpu.memory_space<hbm>> -> memref<4096xf32, #tpu.memory_space<hbm>>
    %dma_start3A_30 = arith.constant 0 : i32
    %dma_start3A_31 = tpu.memref_slice %arg9[%dma_start3A_23, %dma_start3A_30] : memref<2x4096xf32, #tpu.memory_space<vmem>> -> memref<1x4096xf32, #tpu.memory_space<vmem>>
    %dma_start3A_32 = tpu.memref_squeeze %dma_start3A_31 : memref<1x4096xf32, #tpu.memory_space<vmem>> -> memref<4096xf32, #tpu.memory_space<vmem>>
    %dma_start3A_33 = arith.constant 0 : i32
    %dma_start3A_34 = tpu.memref_slice %arg3[%add3A_9, %dma_start3A_33] : memref<64x4096xf32, #tpu.memory_space<hbm>> -> memref<1x4096xf32, #tpu.memory_space<hbm>>
    %dma_start3A_35 = tpu.memref_squeeze %dma_start3A_34 : memref<1x4096xf32, #tpu.memory_space<hbm>> -> memref<4096xf32, #tpu.memory_space<hbm>>
    tpu.enqueue_dma source(%dma_start3A_35 : memref<4096xf32, #tpu.memory_space<hbm>>) target(%dma_start3A_32 : memref<4096xf32, #tpu.memory_space<vmem>>) target_semaphore(%arg13 : memref<!tpu.dma_semaphore, #tpu.memory_space<semaphore_mem>>)
    %add3A_36 = arith.constant 1 : i32
    %add3A_37 = arith.addi %mul3A_2, %add3A_36 : i32
    %add3A_38 = arith.constant 1 : i32
    %add3A_39 = arith.addi %mul3A_2, %add3A_38 : i32
    %dma_start3A_40 = arith.constant 1 : i32
    %dma_start3A_41 = arith.constant 0 : i32
    %dma_start3A_42 = tpu.memref_slice %arg8[%dma_start3A_40, %dma_start3A_41] : memref<2x4096xi32, #tpu.memory_space<vmem>> -> memref<1x4096xi32, #tpu.memory_space<vmem>>
    %dma_start3A_43 = tpu.memref_squeeze %dma_start3A_42 : memref<1x4096xi32, #tpu.memory_space<vmem>> -> memref<4096xi32, #tpu.memory_space<vmem>>
    %dma_start3A_44 = arith.constant 0 : i32
    %dma_start3A_45 = tpu.memref_slice %arg2[%add3A_37, %dma_start3A_44] : memref<64x4096xi32, #tpu.memory_space<hbm>> -> memref<1x4096xi32, #tpu.memory_space<hbm>>
    %dma_start3A_46 = tpu.memref_squeeze %dma_start3A_45 : memref<1x4096xi32, #tpu.memory_space<hbm>> -> memref<4096xi32, #tpu.memory_space<hbm>>
    %dma_start3A_47 = arith.constant 0 : i32
    %dma_start3A_48 = tpu.memref_slice %arg8[%dma_start3A_40, %dma_start3A_47] : memref<2x4096xi32, #tpu.memory_space<vmem>> -> memref<1x4096xi32, #tpu.memory_space<vmem>>
    %dma_start3A_49 = tpu.memref_squeeze %dma_start3A_48 : memref<1x4096xi32, #tpu.memory_space<vmem>> -> memref<4096xi32, #tpu.memory_space<vmem>>
    %dma_start3A_50 = arith.constant 0 : i32
    %dma_start3A_51 = tpu.memref_slice %arg2[%add3A_37, %dma_start3A_50] : memref<64x4096xi32, #tpu.memory_space<hbm>> -> memref<1x4096xi32, #tpu.memory_space<hbm>>
    %dma_start3A_52 = tpu.memref_squeeze %dma_start3A_51 : memref<1x4096xi32, #tpu.memory_space<hbm>> -> memref<4096xi32, #tpu.memory_space<hbm>>
    tpu.enqueue_dma source(%dma_start3A_52 : memref<4096xi32, #tpu.memory_space<hbm>>) target(%dma_start3A_49 : memref<4096xi32, #tpu.memory_space<vmem>>) target_semaphore(%arg14 : memref<!tpu.dma_semaphore, #tpu.memory_space<semaphore_mem>>)
    %dma_start3A_53 = arith.constant 1 : i32
    %dma_start3A_54 = arith.constant 0 : i32
    %dma_start3A_55 = tpu.memref_slice %arg9[%dma_start3A_53, %dma_start3A_54] : memref<2x4096xf32, #tpu.memory_space<vmem>> -> memref<1x4096xf32, #tpu.memory_space<vmem>>
    %dma_start3A_56 = tpu.memref_squeeze %dma_start3A_55 : memref<1x4096xf32, #tpu.memory_space<vmem>> -> memref<4096xf32, #tpu.memory_space<vmem>>
    %dma_start3A_57 = arith.constant 0 : i32
    %dma_start3A_58 = tpu.memref_slice %arg3[%add3A_39, %dma_start3A_57] : memref<64x4096xf32, #tpu.memory_space<hbm>> -> memref<1x4096xf32, #tpu.memory_space<hbm>>
    %dma_start3A_59 = tpu.memref_squeeze %dma_start3A_58 : memref<1x4096xf32, #tpu.memory_space<hbm>> -> memref<4096xf32, #tpu.memory_space<hbm>>
    %dma_start3A_60 = arith.constant 0 : i32
    %dma_start3A_61 = tpu.memref_slice %arg9[%dma_start3A_53, %dma_start3A_60] : memref<2x4096xf32, #tpu.memory_space<vmem>> -> memref<1x4096xf32, #tpu.memory_space<vmem>>
    %dma_start3A_62 = tpu.memref_squeeze %dma_start3A_61 : memref<1x4096xf32, #tpu.memory_space<vmem>> -> memref<4096xf32, #tpu.memory_space<vmem>>
    %dma_start3A_63 = arith.constant 0 : i32
    %dma_start3A_64 = tpu.memref_slice %arg3[%add3A_39, %dma_start3A_63] : memref<64x4096xf32, #tpu.memory_space<hbm>> -> memref<1x4096xf32, #tpu.memory_space<hbm>>
    %dma_start3A_65 = tpu.memref_squeeze %dma_start3A_64 : memref<1x4096xf32, #tpu.memory_space<hbm>> -> memref<4096xf32, #tpu.memory_space<hbm>>
    tpu.enqueue_dma source(%dma_start3A_65 : memref<4096xf32, #tpu.memory_space<hbm>>) target(%dma_start3A_62 : memref<4096xf32, #tpu.memory_space<vmem>>) target_semaphore(%arg14 : memref<!tpu.dma_semaphore, #tpu.memory_space<semaphore_mem>>)
    %broadcast_in_dim3A = arith.constant 0.000000e+00 : f32
    %broadcast_in_dim3A_66 = vector.broadcast %broadcast_in_dim3A : f32 to vector<16xf32>
    %broadcast_in_dim3A_67 = arith.constant 1.000000e+00 : f32
    %broadcast_in_dim3A_68 = vector.broadcast %broadcast_in_dim3A_67 : f32 to vector<16xf32>
    %iota3A = tpu.iota {dimensions = array<i32: 0>} : vector<16xi32>
    %mul3A_69 = arith.constant 4 : i32
    %mul3A_70 = vector.broadcast %mul3A_69 : i32 to vector<16xi32>
    %mul3A_71 = arith.muli %iota3A, %mul3A_70 : vector<16xi32>
    %dma_wait3A = arith.constant 0 : i32
    %dma_wait3A_72 = tpu.memref_slice %arg4[%mul3A_2, %dma_wait3A] : memref<64x64xi32, #tpu.memory_space<hbm>> -> memref<2x64xi32, #tpu.memory_space<hbm>>
    %dma_wait3A_73 = arith.constant 0 : i32
    %dma_wait3A_74 = tpu.memref_slice %arg4[%mul3A_2, %dma_wait3A_73] : memref<64x64xi32, #tpu.memory_space<hbm>> -> memref<2x64xi32, #tpu.memory_space<hbm>>
    tpu.wait_dma2 semaphore(%arg12 : memref<!tpu.dma_semaphore, #tpu.memory_space<semaphore_mem>>) src(%dma_wait3A_74 : memref<2x64xi32, #tpu.memory_space<hbm>>) dst(%arg10 : memref<2x64xi32, #tpu.memory_space<vmem>>)
    %broadcast_in_dim3A_75 = arith.constant 0 : i32
    %broadcast_in_dim3A_76 = vector.broadcast %broadcast_in_dim3A_75 : i32 to vector<16xi32>
    %add3A_77 = arith.constant 0 : i32
    %add3A_78 = vector.broadcast %add3A_77 : i32 to vector<16xi32>
    %add3A_79 = arith.addi %mul3A_71, %add3A_78 : vector<16xi32>
    %gather3A = tpu.vector_load_idx %arg10[%broadcast_in_dim3A_76, %add3A_79] : memref<2x64xi32, #tpu.memory_space<vmem>>[vector<16xi32>, vector<16xi32>], vector<16xi32>,
    tpu.vector_store_idx %arg6[%gather3A], %broadcast_in_dim3A_66 : memref<50048xf32, #tpu.memory_space<vmem>>[vector<16xi32>], vector<16xf32>,
    %add3A_80 = arith.constant 1 : i32
    %add3A_81 = vector.broadcast %add3A_80 : i32 to vector<16xi32>
    %add3A_82 = arith.addi %mul3A_71, %add3A_81 : vector<16xi32>
    %gather3A_83 = tpu.vector_load_idx %arg10[%broadcast_in_dim3A_76, %add3A_82] : memref<2x64xi32, #tpu.memory_space<vmem>>[vector<16xi32>, vector<16xi32>], vector<16xi32>,
    tpu.vector_store_idx %arg6[%gather3A_83], %broadcast_in_dim3A_66 : memref<50048xf32, #tpu.memory_space<vmem>>[vector<16xi32>], vector<16xf32>,
    %add3A_84 = arith.constant 2 : i32
    %add3A_85 = vector.broadcast %add3A_84 : i32 to vector<16xi32>
    %add3A_86 = arith.addi %mul3A_71, %add3A_85 : vector<16xi32>
    %gather3A_87 = tpu.vector_load_idx %arg10[%broadcast_in_dim3A_76, %add3A_86] : memref<2x64xi32, #tpu.memory_space<vmem>>[vector<16xi32>, vector<16xi32>], vector<16xi32>,
    tpu.vector_store_idx %arg6[%gather3A_87], %broadcast_in_dim3A_66 : memref<50048xf32, #tpu.memory_space<vmem>>[vector<16xi32>], vector<16xf32>,
    %add3A_88 = arith.constant 3 : i32
    %add3A_89 = vector.broadcast %add3A_88 : i32 to vector<16xi32>
    %add3A_90 = arith.addi %mul3A_71, %add3A_89 : vector<16xi32>
    %gather3A_91 = tpu.vector_load_idx %arg10[%broadcast_in_dim3A_76, %add3A_90] : memref<2x64xi32, #tpu.memory_space<vmem>>[vector<16xi32>, vector<16xi32>], vector<16xi32>,
    tpu.vector_store_idx %arg6[%gather3A_91], %broadcast_in_dim3A_66 : memref<50048xf32, #tpu.memory_space<vmem>>[vector<16xi32>], vector<16xf32>,
    %broadcast_in_dim3A_92 = arith.constant 1 : i32
    %broadcast_in_dim3A_93 = vector.broadcast %broadcast_in_dim3A_92 : i32 to vector<16xi32>
    %add3A_94 = arith.constant 0 : i32
    %add3A_95 = vector.broadcast %add3A_94 : i32 to vector<16xi32>
    %add3A_96 = arith.addi %mul3A_71, %add3A_95 : vector<16xi32>
    %gather3A_97 = tpu.vector_load_idx %arg10[%broadcast_in_dim3A_93, %add3A_96] : memref<2x64xi32, #tpu.memory_space<vmem>>[vector<16xi32>, vector<16xi32>], vector<16xi32>,
    tpu.vector_store_idx %arg7[%gather3A_97], %broadcast_in_dim3A_66 : memref<50048xf32, #tpu.memory_space<vmem>>[vector<16xi32>], vector<16xf32>,
    %add3A_98 = arith.constant 1 : i32
    %add3A_99 = vector.broadcast %add3A_98 : i32 to vector<16xi32>
    %add3A_100 = arith.addi %mul3A_71, %add3A_99 : vector<16xi32>
    %gather3A_101 = tpu.vector_load_idx %arg10[%broadcast_in_dim3A_93, %add3A_100] : memref<2x64xi32, #tpu.memory_space<vmem>>[vector<16xi32>, vector<16xi32>], vector<16xi32>,
    tpu.vector_store_idx %arg7[%gather3A_101], %broadcast_in_dim3A_66 : memref<50048xf32, #tpu.memory_space<vmem>>[vector<16xi32>], vector<16xf32>,
    %add3A_102 = arith.constant 2 : i32
    %add3A_103 = vector.broadcast %add3A_102 : i32 to vector<16xi32>
    %add3A_104 = arith.addi %mul3A_71, %add3A_103 : vector<16xi32>
    %gather3A_105 = tpu.vector_load_idx %arg10[%broadcast_in_dim3A_93, %add3A_104] : memref<2x64xi32, #tpu.memory_space<vmem>>[vector<16xi32>, vector<16xi32>], vector<16xi32>,
    tpu.vector_store_idx %arg7[%gather3A_105], %broadcast_in_dim3A_66 : memref<50048xf32, #tpu.memory_space<vmem>>[vector<16xi32>], vector<16xf32>,
    %add3A_106 = arith.constant 3 : i32
    %add3A_107 = vector.broadcast %add3A_106 : i32 to vector<16xi32>
    %add3A_108 = arith.addi %mul3A_71, %add3A_107 : vector<16xi32>
    %gather3A_109 = tpu.vector_load_idx %arg10[%broadcast_in_dim3A_93, %add3A_108] : memref<2x64xi32, #tpu.memory_space<vmem>>[vector<16xi32>, vector<16xi32>], vector<16xi32>,
    tpu.vector_store_idx %arg7[%gather3A_109], %broadcast_in_dim3A_66 : memref<50048xf32, #tpu.memory_space<vmem>>[vector<16xi32>], vector<16xf32>,
    %dma_wait3A_110 = arith.constant 0 : i32
    %dma_wait3A_111 = arith.constant 0 : i32
    %dma_wait3A_112 = tpu.memref_slice %arg8[%dma_wait3A_110, %dma_wait3A_111] : memref<2x4096xi32, #tpu.memory_space<vmem>> -> memref<1x4096xi32, #tpu.memory_space<vmem>>
    %dma_wait3A_113 = tpu.memref_squeeze %dma_wait3A_112 : memref<1x4096xi32, #tpu.memory_space<vmem>> -> memref<4096xi32, #tpu.memory_space<vmem>>
    %dma_wait3A_114 = arith.constant 0 : i32
    %dma_wait3A_115 = tpu.memref_slice %arg2[%add3A_7, %dma_wait3A_114] : memref<64x4096xi32, #tpu.memory_space<hbm>> -> memref<1x4096xi32, #tpu.memory_space<hbm>>
    %dma_wait3A_116 = tpu.memref_squeeze %dma_wait3A_115 : memref<1x4096xi32, #tpu.memory_space<hbm>> -> memref<4096xi32, #tpu.memory_space<hbm>>
    %dma_wait3A_117 = arith.constant 0 : i32
    %dma_wait3A_118 = tpu.memref_slice %arg8[%dma_wait3A_110, %dma_wait3A_117] : memref<2x4096xi32, #tpu.memory_space<vmem>> -> memref<1x4096xi32, #tpu.memory_space<vmem>>
    %dma_wait3A_119 = tpu.memref_squeeze %dma_wait3A_118 : memref<1x4096xi32, #tpu.memory_space<vmem>> -> memref<4096xi32, #tpu.memory_space<vmem>>
    %dma_wait3A_120 = arith.constant 0 : i32
    %dma_wait3A_121 = tpu.memref_slice %arg2[%add3A_7, %dma_wait3A_120] : memref<64x4096xi32, #tpu.memory_space<hbm>> -> memref<1x4096xi32, #tpu.memory_space<hbm>>
    %dma_wait3A_122 = tpu.memref_squeeze %dma_wait3A_121 : memref<1x4096xi32, #tpu.memory_space<hbm>> -> memref<4096xi32, #tpu.memory_space<hbm>>
    tpu.wait_dma2 semaphore(%arg13 : memref<!tpu.dma_semaphore, #tpu.memory_space<semaphore_mem>>) src(%dma_wait3A_122 : memref<4096xi32, #tpu.memory_space<hbm>>) dst(%dma_wait3A_119 : memref<4096xi32, #tpu.memory_space<vmem>>)
    %dma_wait3A_123 = arith.constant 0 : i32
    %dma_wait3A_124 = arith.constant 0 : i32
    %dma_wait3A_125 = tpu.memref_slice %arg9[%dma_wait3A_123, %dma_wait3A_124] : memref<2x4096xf32, #tpu.memory_space<vmem>> -> memref<1x4096xf32, #tpu.memory_space<vmem>>
    %dma_wait3A_126 = tpu.memref_squeeze %dma_wait3A_125 : memref<1x4096xf32, #tpu.memory_space<vmem>> -> memref<4096xf32, #tpu.memory_space<vmem>>
    %dma_wait3A_127 = arith.constant 0 : i32
    %dma_wait3A_128 = tpu.memref_slice %arg3[%add3A_9, %dma_wait3A_127] : memref<64x4096xf32, #tpu.memory_space<hbm>> -> memref<1x4096xf32, #tpu.memory_space<hbm>>
    %dma_wait3A_129 = tpu.memref_squeeze %dma_wait3A_128 : memref<1x4096xf32, #tpu.memory_space<hbm>> -> memref<4096xf32, #tpu.memory_space<hbm>>
    %dma_wait3A_130 = arith.constant 0 : i32
    %dma_wait3A_131 = tpu.memref_slice %arg9[%dma_wait3A_123, %dma_wait3A_130] : memref<2x4096xf32, #tpu.memory_space<vmem>> -> memref<1x4096xf32, #tpu.memory_space<vmem>>
    %dma_wait3A_132 = tpu.memref_squeeze %dma_wait3A_131 : memref<1x4096xf32, #tpu.memory_space<vmem>> -> memref<4096xf32, #tpu.memory_space<vmem>>
    %dma_wait3A_133 = arith.constant 0 : i32
    %dma_wait3A_134 = tpu.memref_slice %arg3[%add3A_9, %dma_wait3A_133] : memref<64x4096xf32, #tpu.memory_space<hbm>> -> memref<1x4096xf32, #tpu.memory_space<hbm>>
    %dma_wait3A_135 = tpu.memref_squeeze %dma_wait3A_134 : memref<1x4096xf32, #tpu.memory_space<hbm>> -> memref<4096xf32, #tpu.memory_space<hbm>>
    tpu.wait_dma2 semaphore(%arg13 : memref<!tpu.dma_semaphore, #tpu.memory_space<semaphore_mem>>) src(%dma_wait3A_135 : memref<4096xf32, #tpu.memory_space<hbm>>) dst(%dma_wait3A_132 : memref<4096xf32, #tpu.memory_space<vmem>>)
    %parallel_loop3A = arith.constant 0 : i32
    %parallel_loop3A_136 = arith.constant 256 : i32
    %parallel_loop3A_137 = arith.constant 1 : i32
    scf.for %parallel_loop3A_229 = %parallel_loop3A to %parallel_loop3A_136 step %parallel_loop3A_137  : i32 {
      %parallel_loop3A_230 = arith.constant 16 : i32
      %parallel_loop3A_231 = arith.muli %parallel_loop3A_229, %parallel_loop3A_230 : i32
      %parallel_loop3A_232 = arith.constant 0 : i32
      %parallel_loop3A_233 = arith.index_cast %parallel_loop3A_232 : i32 to index
      %parallel_loop3A_234 = arith.index_cast %parallel_loop3A_231 : i32 to index
      %parallel_loop3A_235 = tpu.vector_load %arg8[%parallel_loop3A_233, %parallel_loop3A_234] {strides = array<i32>} : memref<2x4096xi32, #tpu.memory_space<vmem>>, vector<16xi32>,
      %parallel_loop3A_236 = arith.constant 16 : i32
      %parallel_loop3A_237 = arith.muli %parallel_loop3A_229, %parallel_loop3A_236 : i32
      %parallel_loop3A_238 = arith.constant 0 : i32
      %parallel_loop3A_239 = arith.index_cast %parallel_loop3A_238 : i32 to index
      %parallel_loop3A_240 = arith.index_cast %parallel_loop3A_237 : i32 to index
      %parallel_loop3A_241 = tpu.vector_load %arg9[%parallel_loop3A_239, %parallel_loop3A_240] {strides = array<i32>} : memref<2x4096xf32, #tpu.memory_space<vmem>>, vector<16xf32>,
      tpu.vector_store_idx %arg6[%parallel_loop3A_235], %parallel_loop3A_241 {add = true} : memref<50048xf32, #tpu.memory_space<vmem>>[vector<16xi32>], vector<16xf32>,
    } {sc.loop_unroll_factor = 8 : i64, sc.parallel_access}
    %dma_wait3A_138 = arith.constant 1 : i32
    %dma_wait3A_139 = arith.constant 0 : i32
    %dma_wait3A_140 = tpu.memref_slice %arg8[%dma_wait3A_138, %dma_wait3A_139] : memref<2x4096xi32, #tpu.memory_space<vmem>> -> memref<1x4096xi32, #tpu.memory_space<vmem>>
    %dma_wait3A_141 = tpu.memref_squeeze %dma_wait3A_140 : memref<1x4096xi32, #tpu.memory_space<vmem>> -> memref<4096xi32, #tpu.memory_space<vmem>>
    %dma_wait3A_142 = arith.constant 0 : i32
    %dma_wait3A_143 = tpu.memref_slice %arg2[%add3A_37, %dma_wait3A_142] : memref<64x4096xi32, #tpu.memory_space<hbm>> -> memref<1x4096xi32, #tpu.memory_space<hbm>>
    %dma_wait3A_144 = tpu.memref_squeeze %dma_wait3A_143 : memref<1x4096xi32, #tpu.memory_space<hbm>> -> memref<4096xi32, #tpu.memory_space<hbm>>
    %dma_wait3A_145 = arith.constant 0 : i32
    %dma_wait3A_146 = tpu.memref_slice %arg8[%dma_wait3A_138, %dma_wait3A_145] : memref<2x4096xi32, #tpu.memory_space<vmem>> -> memref<1x4096xi32, #tpu.memory_space<vmem>>
    %dma_wait3A_147 = tpu.memref_squeeze %dma_wait3A_146 : memref<1x4096xi32, #tpu.memory_space<vmem>> -> memref<4096xi32, #tpu.memory_space<vmem>>
    %dma_wait3A_148 = arith.constant 0 : i32
    %dma_wait3A_149 = tpu.memref_slice %arg2[%add3A_37, %dma_wait3A_148] : memref<64x4096xi32, #tpu.memory_space<hbm>> -> memref<1x4096xi32, #tpu.memory_space<hbm>>
    %dma_wait3A_150 = tpu.memref_squeeze %dma_wait3A_149 : memref<1x4096xi32, #tpu.memory_space<hbm>> -> memref<4096xi32, #tpu.memory_space<hbm>>
    tpu.wait_dma2 semaphore(%arg14 : memref<!tpu.dma_semaphore, #tpu.memory_space<semaphore_mem>>) src(%dma_wait3A_150 : memref<4096xi32, #tpu.memory_space<hbm>>) dst(%dma_wait3A_147 : memref<4096xi32, #tpu.memory_space<vmem>>)
    %dma_wait3A_151 = arith.constant 1 : i32
    %dma_wait3A_152 = arith.constant 0 : i32
    %dma_wait3A_153 = tpu.memref_slice %arg9[%dma_wait3A_151, %dma_wait3A_152] : memref<2x4096xf32, #tpu.memory_space<vmem>> -> memref<1x4096xf32, #tpu.memory_space<vmem>>
    %dma_wait3A_154 = tpu.memref_squeeze %dma_wait3A_153 : memref<1x4096xf32, #tpu.memory_space<vmem>> -> memref<4096xf32, #tpu.memory_space<vmem>>
    %dma_wait3A_155 = arith.constant 0 : i32
    %dma_wait3A_156 = tpu.memref_slice %arg3[%add3A_39, %dma_wait3A_155] : memref<64x4096xf32, #tpu.memory_space<hbm>> -> memref<1x4096xf32, #tpu.memory_space<hbm>>
    %dma_wait3A_157 = tpu.memref_squeeze %dma_wait3A_156 : memref<1x4096xf32, #tpu.memory_space<hbm>> -> memref<4096xf32, #tpu.memory_space<hbm>>
    %dma_wait3A_158 = arith.constant 0 : i32
    %dma_wait3A_159 = tpu.memref_slice %arg9[%dma_wait3A_151, %dma_wait3A_158] : memref<2x4096xf32, #tpu.memory_space<vmem>> -> memref<1x4096xf32, #tpu.memory_space<vmem>>
    %dma_wait3A_160 = tpu.memref_squeeze %dma_wait3A_159 : memref<1x4096xf32, #tpu.memory_space<vmem>> -> memref<4096xf32, #tpu.memory_space<vmem>>
    %dma_wait3A_161 = arith.constant 0 : i32
    %dma_wait3A_162 = tpu.memref_slice %arg3[%add3A_39, %dma_wait3A_161] : memref<64x4096xf32, #tpu.memory_space<hbm>> -> memref<1x4096xf32, #tpu.memory_space<hbm>>
    %dma_wait3A_163 = tpu.memref_squeeze %dma_wait3A_162 : memref<1x4096xf32, #tpu.memory_space<hbm>> -> memref<4096xf32, #tpu.memory_space<hbm>>
    tpu.wait_dma2 semaphore(%arg14 : memref<!tpu.dma_semaphore, #tpu.memory_space<semaphore_mem>>) src(%dma_wait3A_163 : memref<4096xf32, #tpu.memory_space<hbm>>) dst(%dma_wait3A_160 : memref<4096xf32, #tpu.memory_space<vmem>>)
    %parallel_loop3A_164 = arith.constant 0 : i32
    %parallel_loop3A_165 = arith.constant 256 : i32
    %parallel_loop3A_166 = arith.constant 1 : i32
    scf.for %parallel_loop3A_229 = %parallel_loop3A_164 to %parallel_loop3A_165 step %parallel_loop3A_166  : i32 {
      %parallel_loop3A_230 = arith.constant 16 : i32
      %parallel_loop3A_231 = arith.muli %parallel_loop3A_229, %parallel_loop3A_230 : i32
      %parallel_loop3A_232 = arith.constant 1 : i32
      %parallel_loop3A_233 = arith.index_cast %parallel_loop3A_232 : i32 to index
      %parallel_loop3A_234 = arith.index_cast %parallel_loop3A_231 : i32 to index
      %parallel_loop3A_235 = tpu.vector_load %arg8[%parallel_loop3A_233, %parallel_loop3A_234] {strides = array<i32>} : memref<2x4096xi32, #tpu.memory_space<vmem>>, vector<16xi32>,
      %parallel_loop3A_236 = arith.constant 16 : i32
      %parallel_loop3A_237 = arith.muli %parallel_loop3A_229, %parallel_loop3A_236 : i32
      %parallel_loop3A_238 = arith.constant 1 : i32
      %parallel_loop3A_239 = arith.index_cast %parallel_loop3A_238 : i32 to index
      %parallel_loop3A_240 = arith.index_cast %parallel_loop3A_237 : i32 to index
      %parallel_loop3A_241 = tpu.vector_load %arg9[%parallel_loop3A_239, %parallel_loop3A_240] {strides = array<i32>} : memref<2x4096xf32, #tpu.memory_space<vmem>>, vector<16xf32>,
      tpu.vector_store_idx %arg7[%parallel_loop3A_235], %parallel_loop3A_241 {add = true} : memref<50048xf32, #tpu.memory_space<vmem>>[vector<16xi32>], vector<16xf32>,
    } {sc.loop_unroll_factor = 8 : i64, sc.parallel_access}
    %gather3A_167 = tpu.vector_load_idx %arg6[%gather3A] : memref<50048xf32, #tpu.memory_space<vmem>>[vector<16xi32>], vector<16xf32>,
    %add3A_168 = arith.addf %broadcast_in_dim3A_66, %gather3A_167 : vector<16xf32>
    %ne3A = arith.constant 0 : i32
    %ne3A_169 = vector.broadcast %ne3A : i32 to vector<16xi32>
    %ne3A_170 = arith.cmpi ne, %gather3A, %ne3A_169 : vector<16xi32>
    %select_n3A = arith.select %ne3A_170, %broadcast_in_dim3A_68, %broadcast_in_dim3A_66 : vector<16xi1>, vector<16xf32>
    %add3A_171 = arith.addf %broadcast_in_dim3A_66, %select_n3A : vector<16xf32>
    %gather3A_172 = tpu.vector_load_idx %arg6[%gather3A_83] : memref<50048xf32, #tpu.memory_space<vmem>>[vector<16xi32>], vector<16xf32>,
    %add3A_173 = arith.addf %add3A_168, %gather3A_172 : vector<16xf32>
    %ne3A_174 = arith.constant 0 : i32
    %ne3A_175 = vector.broadcast %ne3A_174 : i32 to vector<16xi32>
    %ne3A_176 = arith.cmpi ne, %gather3A_83, %ne3A_175 : vector<16xi32>
    %select_n3A_177 = arith.select %ne3A_176, %broadcast_in_dim3A_68, %broadcast_in_dim3A_66 : vector<16xi1>, vector<16xf32>
    %add3A_178 = arith.addf %add3A_171, %select_n3A_177 : vector<16xf32>
    %gather3A_179 = tpu.vector_load_idx %arg6[%gather3A_87] : memref<50048xf32, #tpu.memory_space<vmem>>[vector<16xi32>], vector<16xf32>,
    %add3A_180 = arith.addf %add3A_173, %gather3A_179 : vector<16xf32>
    %ne3A_181 = arith.constant 0 : i32
    %ne3A_182 = vector.broadcast %ne3A_181 : i32 to vector<16xi32>
    %ne3A_183 = arith.cmpi ne, %gather3A_87, %ne3A_182 : vector<16xi32>
    %select_n3A_184 = arith.select %ne3A_183, %broadcast_in_dim3A_68, %broadcast_in_dim3A_66 : vector<16xi1>, vector<16xf32>
    %add3A_185 = arith.addf %add3A_178, %select_n3A_184 : vector<16xf32>
    %gather3A_186 = tpu.vector_load_idx %arg6[%gather3A_91] : memref<50048xf32, #tpu.memory_space<vmem>>[vector<16xi32>], vector<16xf32>,
    %add3A_187 = arith.addf %add3A_180, %gather3A_186 : vector<16xf32>
    %ne3A_188 = arith.constant 0 : i32
    %ne3A_189 = vector.broadcast %ne3A_188 : i32 to vector<16xi32>
    %ne3A_190 = arith.cmpi ne, %gather3A_91, %ne3A_189 : vector<16xi32>
    %select_n3A_191 = arith.select %ne3A_190, %broadcast_in_dim3A_68, %broadcast_in_dim3A_66 : vector<16xi1>, vector<16xf32>
    %add3A_192 = arith.addf %add3A_185, %select_n3A_191 : vector<16xf32>
    %div3A = arith.divf %add3A_187, %add3A_192 : vector<16xf32>
    %swap3A = arith.constant 0 : i32
    %swap3A_193 = arith.index_cast %swap3A : i32 to index
    %swap3A_194 = arith.constant 0 : index
    %swap3A_195 = tpu.vector_load %arg11[%swap3A_193, %swap3A_194] {strides = array<i32>} : memref<2x16xf32, #tpu.memory_space<vmem>>, vector<16xf32>,
    tpu.vector_store %arg11[%swap3A_193, %swap3A_194], %div3A {strides = array<i32>} : memref<2x16xf32, #tpu.memory_space<vmem>>, vector<16xf32>,
    %gather3A_196 = tpu.vector_load_idx %arg7[%gather3A_97] : memref<50048xf32, #tpu.memory_space<vmem>>[vector<16xi32>], vector<16xf32>,
    %add3A_197 = arith.addf %broadcast_in_dim3A_66, %gather3A_196 : vector<16xf32>
    %ne3A_198 = arith.constant 0 : i32
    %ne3A_199 = vector.broadcast %ne3A_198 : i32 to vector<16xi32>
    %ne3A_200 = arith.cmpi ne, %gather3A_97, %ne3A_199 : vector<16xi32>
    %select_n3A_201 = arith.select %ne3A_200, %broadcast_in_dim3A_68, %broadcast_in_dim3A_66 : vector<16xi1>, vector<16xf32>
    %add3A_202 = arith.addf %broadcast_in_dim3A_66, %select_n3A_201 : vector<16xf32>
    %gather3A_203 = tpu.vector_load_idx %arg7[%gather3A_101] : memref<50048xf32, #tpu.memory_space<vmem>>[vector<16xi32>], vector<16xf32>,
    %add3A_204 = arith.addf %add3A_197, %gather3A_203 : vector<16xf32>
    %ne3A_205 = arith.constant 0 : i32
    %ne3A_206 = vector.broadcast %ne3A_205 : i32 to vector<16xi32>
    %ne3A_207 = arith.cmpi ne, %gather3A_101, %ne3A_206 : vector<16xi32>
    %select_n3A_208 = arith.select %ne3A_207, %broadcast_in_dim3A_68, %broadcast_in_dim3A_66 : vector<16xi1>, vector<16xf32>
    %add3A_209 = arith.addf %add3A_202, %select_n3A_208 : vector<16xf32>
    %gather3A_210 = tpu.vector_load_idx %arg7[%gather3A_105] : memref<50048xf32, #tpu.memory_space<vmem>>[vector<16xi32>], vector<16xf32>,
    %add3A_211 = arith.addf %add3A_204, %gather3A_210 : vector<16xf32>
    %ne3A_212 = arith.constant 0 : i32
    %ne3A_213 = vector.broadcast %ne3A_212 : i32 to vector<16xi32>
    %ne3A_214 = arith.cmpi ne, %gather3A_105, %ne3A_213 : vector<16xi32>
    %select_n3A_215 = arith.select %ne3A_214, %broadcast_in_dim3A_68, %broadcast_in_dim3A_66 : vector<16xi1>, vector<16xf32>
    %add3A_216 = arith.addf %add3A_209, %select_n3A_215 : vector<16xf32>
    %gather3A_217 = tpu.vector_load_idx %arg7[%gather3A_109] : memref<50048xf32, #tpu.memory_space<vmem>>[vector<16xi32>], vector<16xf32>,
    %add3A_218 = arith.addf %add3A_211, %gather3A_217 : vector<16xf32>
    %ne3A_219 = arith.constant 0 : i32
    %ne3A_220 = vector.broadcast %ne3A_219 : i32 to vector<16xi32>
    %ne3A_221 = arith.cmpi ne, %gather3A_109, %ne3A_220 : vector<16xi32>
    %select_n3A_222 = arith.select %ne3A_221, %broadcast_in_dim3A_68, %broadcast_in_dim3A_66 : vector<16xi1>, vector<16xf32>
    %add3A_223 = arith.addf %add3A_216, %select_n3A_222 : vector<16xf32>
    %div3A_224 = arith.divf %add3A_218, %add3A_223 : vector<16xf32>
    %swap3A_225 = arith.constant 1 : i32
    %swap3A_226 = arith.index_cast %swap3A_225 : i32 to index
    %swap3A_227 = arith.constant 0 : index
    %swap3A_228 = tpu.vector_load %arg11[%swap3A_226, %swap3A_227] {strides = array<i32>} : memref<2x16xf32, #tpu.memory_space<vmem>>, vector<16xf32>,
    tpu.vector_store %arg11[%swap3A_226, %swap3A_227], %div3A_224 {strides = array<i32>} : memref<2x16xf32, #tpu.memory_space<vmem>>, vector<16xf32>,
    "tpu.region"() ({
      %run_scoped3A = tpu.sem_alloc : memref<!tpu.dma_semaphore, #tpu.memory_space<semaphore_mem>>
      %dma_start3A_229 = arith.constant 0 : i32
      %dma_start3A_230 = tpu.memref_slice %arg5[%mul3A_2, %dma_start3A_229] : memref<64x16xf32, #tpu.memory_space<hbm>> -> memref<2x16xf32, #tpu.memory_space<hbm>>
      %dma_start3A_231 = arith.constant 0 : i32
      %dma_start3A_232 = tpu.memref_slice %arg5[%mul3A_2, %dma_start3A_231] : memref<64x16xf32, #tpu.memory_space<hbm>> -> memref<2x16xf32, #tpu.memory_space<hbm>>
      tpu.enqueue_dma source(%arg11 : memref<2x16xf32, #tpu.memory_space<vmem>>) target(%dma_start3A_232 : memref<2x16xf32, #tpu.memory_space<hbm>>) target_semaphore(%run_scoped3A : memref<!tpu.dma_semaphore, #tpu.memory_space<semaphore_mem>>)
      %dma_wait3A_233 = arith.constant 0 : i32
      %dma_wait3A_234 = tpu.memref_slice %arg5[%mul3A_2, %dma_wait3A_233] : memref<64x16xf32, #tpu.memory_space<hbm>> -> memref<2x16xf32, #tpu.memory_space<hbm>>
      %dma_wait3A_235 = arith.constant 0 : i32
      %dma_wait3A_236 = tpu.memref_slice %arg5[%mul3A_2, %dma_wait3A_235] : memref<64x16xf32, #tpu.memory_space<hbm>> -> memref<2x16xf32, #tpu.memory_space<hbm>>
      tpu.wait_dma2 semaphore(%run_scoped3A : memref<!tpu.dma_semaphore, #tpu.memory_space<semaphore_mem>>) src(%arg11 : memref<2x16xf32, #tpu.memory_space<vmem>>) dst(%dma_wait3A_236 : memref<2x16xf32, #tpu.memory_space<hbm>>)
      tpu.yield
    }) : () -> ()
    return
  }
}

</mosaic_0001>

<sc_bundles>
// kernel: kernel.3.cloned.1.call-start
scs
__scs_entry_jumppad:
0x0: {  	(pc) =	sbr.rel $0x88, $3  }
0x1: {  	(tag) =	ssettag $0x0;
	lr =	simm.s32 $0x1  }
0x2: {  	[smem:$0x3F9E] =	sst lr;
	_ =	strace $0xD0000000  }
0x3: {  	_ = 	snop  }
0x4: {  	_ = 	snop  }
0x5: {  	_ = 	snop  }
0x6: {  	_ = 	snop  }
0x7: {  	_ = 	snop  }
__scs_overlays_trampoline_lowered:
0x8: {  	[smem:$0x3FAD] =	sst s0  }
0x9: {  	[smem:$0x3FAE] =	sst s1  }
0xa: {  	[smem:$0x3FAF] =	sst s2  }
0xb: {  	[smem:$0x3FB0] =	sst s3  }
0xc: {  	[smem:$0x3FB1] =	sst s4  }
0xd: {  	[smem:$0x3FB2] =	sst s5  }
0xe: {  	[smem:$0x3FB3] =	sst s6  }
0xf: {  	[smem:$0x3FB4] =	sst s7  }
0x10: {  	[smem:$0x3FB5] =	sst s8  }
0x11: {  	[smem:$0x3FB6] =	sst s9;
	s0 =	simm.s32 @!p0 $0x0  }
0x12: {  	s1 =	sld [smem:$0x3F9C];
	s0 =	simm.s32 @p0 $0x1  }
0x13: {  	[smem:$0x3FB7] =	sst s0;
	s0 =	simm.s32 @!p1 $0x0  }
0x14: {  	s2 =	sld [smem:$0x3F9B];
	s0 =	simm.s32 @p1 $0x1  }
0x15: {  	[smem:$0x3FB8] =	sst s0;
	s0 =	simm.s32 @!p2 $0x0  }
0x16: {  	s3 =	sld [smem:$0x3FDB];
	s0 =	simm.s32 @p2 $0x1  }
0x17: {  	s4 =	simm.s32 $0x1BF5;
	[smem:$0x3FBA] =	sst s0  }
0x18: {  	s0 =	sld [smem:$0x3F9D];
	_ =	swait.ge [sflag:s4], $0x0  }
0x19: {  	s7 =	sld [smem:$0x3F9E]  }
0x1a: {  	s8 =	sadd.s32 $0xFFFFE003, lr  }
0x1b: {  	s9 =	sadd.s32 $0xFFFFFEF7, lr;
	s5 =	simm.s32 $0xFFFFFFFF;
	p2 =	slt.u32 s8, $0xFFFFF086  }
0x1c: {  	p1 =	slt.u32 s9, $0xF7A;
	s5 =	simm.s32 @!p2 $0x0  }
0x1d: {  	s5 =	simm.s32 @p1 $0x1;
	p0 =	seq.s32 s7, s2  }
0x1e: {  	s7 =	smul.u32 @!p0 $0xF7A, s2;
	p2 =	seq.s32 @!p0 s5, $0x0  }
0x1f: {  	s9 =	smul.u32 $0xF7A, s1;
	s8 =	simm.s32 @!p0 $0x1BF5;
	p2 =	por !p2, p0  }
0x20: {  	[sflag:s8] =	ssyncset.s32 @!p0 $0xFFFFF086;
	s6 =	sadd.s32 @!p0 s3, s7;
	s7 =	simm.s32 @!p0 $0x108  }
0x21: {  	s3 =	sadd.s32 s3, s9;
	s6 =	sadd.s32 @!p0 $0x88, s6;
	s7 =	simm.s32 @p2 $0x1082  }
0x22: {  	[simem:s7], [sflag:s8] =	dma.local @!p0 [hbm:s6], $0xF7A  }
0x23: {  	s9 =	sor.u32 $0xD0000000, s2;
	s6 =	simm.s32 $0x108;
	_ =	swait.ge @!p0 [sflag:s8], $0x0  }
0x24: {  	s3 =	sadd.s32 $0x88, s3;
	s6 =	simm.s32 @!p1 $0x1082;
	[sflag:s4] =	ssyncset.s32 $0xFFFFF086  }
0x25: {  	[simem:s6], [sflag:s4] =	dma.local [hbm:s3], $0xF7A  }
0x26: {  	[smem:$0x3F9E] =	sst s1;
	(tag) =	ssettag s2;
	_ =	strace s9  }
0x27: {  	s1 =	sld [smem:$0x3FAE]  }
0x28: {  	s2 =	sld [smem:$0x3FAF]  }
0x29: {  	s4 =	sld [smem:$0x3FB1]  }
0x2a: {  	p0 =	seq.s32 s5, $0x0;
	s5 =	sld [smem:$0x3FB2]  }
0x2b: {  	s6 =	sld [smem:$0x3FB3]  }
0x2c: {  	s7 =	sld [smem:$0x3FB4]  }
0x2d: {  	s3 =	simm.s32 $0x108;
	s8 =	sld [smem:$0x3FB5]  }
0x2e: {  	s3 =	simm.s32 @!p0 $0x1082;
	s9 =	sld [smem:$0x3FB6]  }
0x2f: {  	lr =	sadd.s32 s0, s3;
	s0 =	sld [smem:$0x3FAD]  }
0x30: {  	s3 =	sld [smem:$0x3FB0]  }
0x31: {  	[smem:$0x3FB9] =	sst s10  }
0x32: {  	s10 =	sld [smem:$0x3FB7];
	_ =	sdelay $0x3  }
0x33: {  	p0 =	seq.s32 s10, $0x1;
	s10 =	sld [smem:$0x3FB9];
	_ =	sdelay $0x3  }
0x34: {  	[smem:$0x3FB9] =	sst s10  }
0x35: {  	s10 =	sld [smem:$0x3FB8];
	_ =	sdelay $0x3  }
0x36: {  	p1 =	seq.s32 s10, $0x1;
	s10 =	sld [smem:$0x3FB9];
	_ =	sdelay $0x3  }
0x37: {  	[smem:$0x3FB9] =	sst s10  }
0x38: {  	s10 =	sld [smem:$0x3FBA]  }
0x39: {  	_ = 	snop;
	(pc) =	sbr.ind lr, $3  }
0x3a: {  	_ = 	snop  }
0x3b: {  	_ = 	snop  }
0x3c: {  	p2 =	seq.s32 s10, $0x1;
	s10 =	sld [smem:$0x3FB9]  }
0x3d: {  	_ =	shalt  }
0x3e: {  	_ =	shalt  }
0x3f: {  	_ =	shalt  }
0x40: {  	_ =	shalt  }
0x41: {  	_ =	shalt  }
0x42: {  	_ =	shalt  }
0x43: {  	_ =	shalt  }
0x44: {  	_ =	shalt  }
0x45: {  	_ =	shalt  }
0x46: {  	_ =	shalt  }
0x47: {  	_ =	shalt  }
0x48: {  	_ =	shalt  }
0x49: {  	_ =	shalt  }
0x4a: {  	_ =	shalt  }
0x4b: {  	_ =	shalt  }
0x4c: {  	_ =	shalt  }
0x4d: {  	_ =	shalt  }
0x4e: {  	_ =	shalt  }
0x4f: {  	_ =	shalt  }
0x50: {  	_ =	shalt  }
0x51: {  	_ =	shalt  }
0x52: {  	_ =	shalt  }
0x53: {  	_ =	shalt  }
0x54: {  	_ =	shalt  }
0x55: {  	_ =	shalt  }
0x56: {  	_ =	shalt  }
0x57: {  	_ =	shalt  }
0x58: {  	_ =	shalt  }
0x59: {  	_ =	shalt  }
0x5a: {  	_ =	shalt  }
0x5b: {  	_ =	shalt  }
0x5c: {  	_ =	shalt  }
0x5d: {  	_ =	shalt  }
0x5e: {  	_ =	shalt  }
0x5f: {  	_ =	shalt  }
0x60: {  	_ =	shalt  }
0x61: {  	_ =	shalt  }
0x62: {  	_ =	shalt  }
0x63: {  	_ =	shalt  }
0x64: {  	_ =	shalt  }
0x65: {  	_ =	shalt  }
0x66: {  	_ =	shalt  }
0x67: {  	_ =	shalt  }
0x68: {  	_ =	shalt  }
0x69: {  	_ =	shalt  }
0x6a: {  	_ =	shalt  }
0x6b: {  	_ =	shalt  }
0x6c: {  	_ =	shalt  }
0x6d: {  	_ =	shalt  }
0x6e: {  	_ =	shalt  }
0x6f: {  	_ =	shalt  }
0x70: {  	_ =	shalt  }
0x71: {  	_ =	shalt  }
0x72: {  	_ =	shalt  }
0x73: {  	_ =	shalt  }
0x74: {  	_ =	shalt  }
0x75: {  	_ =	shalt  }
0x76: {  	_ =	shalt  }
0x77: {  	_ =	shalt  }
0x78: {  	_ =	shalt  }
0x79: {  	_ =	shalt  }
0x7a: {  	_ =	shalt  }
0x7b: {  	_ =	shalt  }
0x7c: {  	_ =	shalt  }
0x7d: {  	_ =	shalt  }
0x7e: {  	_ =	shalt  }
0x7f: {  	_ =	shalt  }
0x80: {  	_ =	shalt  }
0x81: {  	_ =	shalt  }
0x82: {  	_ =	shalt  }
0x83: {  	_ =	shalt  }
0x84: {  	_ =	shalt  }
0x85: {  	_ =	shalt  }
0x86: {  	_ =	shalt  }
0x87: {  	_ =	shalt  }
.Lfunc_end0:
.L_simem_size_0:
called_computation_lowered:
.L_overlay_start_0:
0x88: {  	s2 =	sld [smem:$0x3FD9]  }
0x89: {  	s3 =	sld [smem:$0x3FFE];
	_ =	sdelay $0x1  }
0x8a: {  	s1 =	srdreg.scid  }
0x8b: {  	s0 =	sand.u32 $0x1, s1  }
0x8c: {  	s17 =	sshll.u32 s0, $0xA;
	s2 =	sadd.s32 s3, s2  }
0x8d: {  	s2 =	sadd.s32 s2, s17  }
0x8e: {  	[smem:$0x3FC5] =	sst s2  }
0x8f: {  	_ = 	snop  }
0x90: {  	s2 =	sld [smem:$0x3FC9]  }
0x91: {  	s18 =	sld [smem:$0x3FC8];
	(tm) =	ssettm $0x1  }
0x92: {  	s4 =	sld [smem:$0x3FFB];
	_ =	sdelay $0x3  }
0x93: {  	_ =	strace s4  }
0x94: {  	s4 =	sld [smem:$0x3FFC];
	_ =	sdelay $0x3  }
0x95: {  	_ =	strace s4  }
0x96: {  	s4 =	sld [smem:$0x3FFD];
	_ =	sdelay $0x3  }
0x97: {  	_ =	strace s4  }
0x98: {  	_ =	strace $0x8FFFFFFF  }
0x99: {  	s19 =	sld [smem:$0x3FDB];
	_ =	sdelay $0x1  }
0x9a: {  	s5 =	simm.s32 $_scs_section_size  }
0x9b: {  	s6 =	simm.s32 $_size__tile_overlayer_lowered;
	s7 =	simm.s32 $_tile_overlayer_lowered  }
0x9c: {  	s22 =	simm.s32 $0x1BFF;
	s21 =	sshll.u32 s7, $0x1;
	s4 =	sadd.s32 s5, s19  }
0x9d: {  	s8 =	simm.s32 $0x0;
	s20 =	sshll.u32 s6, $0x1;
	s6 =	sadd.s32 s21, s4  }
0x9e: {  	[timem:s8], [sflag:s22] =	dma.local [hbm:s6], s20  }
0x9f: {  	_ =	swait.ge [sflag:s22], s20  }
0xa0: {  	s5 =	ssub.s32 $0x0, s20;
	[sflag:s22] =	ssyncset.done $0x0  }
0xa1: {  	[sflag:s22] =	ssyncadd.s32 s5;
	_ =	sdelay $0x1  }
0xa2: {  	s23 =	simm.s32 $0x1B8B  }
0xa3: {  	_ =	swait.ge [sflag:s23], $0x1  }
0xa4: {  	[sflag:s23] =	ssyncset.done $0x0  }
0xa5: {  	s25 =	simm.s32 $0x1B8E;
	s24 =	sld [smem:$0x3FFE];
	[sflag:s23] =	ssyncadd.s32 $0xFFFFFFFF  }
0xa6: {  	s26 =	simm.s32 $execute0_lowered;
	[smem:$0x3FD2] =	sst s25  }
0xa7: {  	s6 =	sshll.u32 s26, $0x1;
	_ =	strace $0x80000046;
	[dreg:$0x1] =	wrdreg $0xFFFFFFFF  }
0xa8: {  	s28 =	simm.s32 $_size_execute0_lowered;
	s4 =	sadd.s32 s4, s6;
	[dreg:$0x0] =	wrdreg $0x0  }
0xa9: {  	s6 =	sshll.u32 s28, $0x1;
	[dreg:$0x2] =	wrdreg s4  }
0xaa: {  	[dreg:$0x3] =	wrdreg s6  }
0xab: {  	[dreg:$0x4] =	wrdreg $0xC0  }
0xac: {  	_ =	task [dreg:s8], $0x5FFFF  }
0xad: {  	[dreg:$0x1] =	wrdreg $0xFFFFFFFF  }
0xae: {  	[dreg:$0x0] =	wrdreg $0x60  }
0xaf: {  	[dreg:$0x2] =	wrdreg s2  }
0xb0: {  	[dreg:$0x3] =	wrdreg s18  }
0xb1: {  	[dreg:$0x4] =	wrdreg s24  }
0xb2: {  	[dreg:$0x5] =	wrdreg $0x9  }
0xb3: {  	_ =	task.clear_ibuf [dreg:s8], $0x6FFFF;
	_ =	strace $0x90000046  }
0xb4: {  	s29 =	simm.s32 $0x9;
	_ =	strace $0x80000048  }
0xb5: {  	_ =	swait.ge [sflag:s29], $0x1  }
0xb6: {  	[sflag:s29] =	ssyncadd.s32 $0xFFFFFFFF  }
0xb7: {  	_ =	strace $0x90000048  }
0xb8: {  	_ =	sfence  }
0xb9: {  	s30 =	sld [smem:$0x0];
	_ =	sdelay $0x2  }
0xba: {  	s31 =	sshll.u32 s1, $0xD;
	s1 =	sshrl.u32 s1, $0x2  }
0xbb: {  	s3 =	sand.u32 $0x4000, s31;
	s1 =	sadd.s32 s1, s30  }
0xbc: {  	s0 =	sor.u32 s3, s0;
	s1 =	sshll.u32 s1, $0x11  }
0xbd: {  	s0 =	sor.u32 s1, s0  }
0xbe: {  	s0 =	sadd.s32 $0x8F2B, s0  }
0xbf: {  	[sflag:s0] =	ssyncadd.remote.s32 $0x1  }
0xc0: {  	_ =	sfence.sel $0xFFFF  }
0xc1: {  	[dreg:$0x0] =	wrdreg $0xFFFFFFFF;
	(pc) =	sbr.abs _section_cstart, $3  }
0xc2: {  	[dreg:$0x1] =	wrdreg $0xFFFFFFFF  }
0xc3: {  	_ =	task.clear_ibuf [dreg:s8], $0x2FFFF;
	_ =	strace $0x9FFFFFFF  }
0xc4: {  	(tm) =	ssettm $0x7FFFFFFF  }
0xc5: {  	_ =	shalt  }
tec
execute0_lowered:
.L_overlay_start_1:
0x0: {  	(tag) =	ssettag $0x1  }
0x1: {  	s6 =	rddreg [dreg:$0x0]  }
0x2: {  	s7 =	rddreg [dreg:$0x1]  }
0x3: {  	s3 =	rddreg [dreg:$0x2];
	s2 =	srdreg.scid  }
0x4: {  	s1 =	stileid.u32;
	s0 =	rddreg [dreg:$0x3]  }
0x5: {  	s11 =	simm.s32 $0x1;
	s12 =	simm.s32 $0xC380;
	s13 =	simm.s32 $0x2  }
0x6: {  	s14 =	simm.s32 $0x3;
	s15 =	simm.s32 $0x1C800;
	s16 =	simm.s32 $0x4  }
0x7: {  	s17 =	simm.s32 $0x0;
	s4 =	sand.u32 $0x1, s2;
	s28 =	sshll.u32 s1, $0x9  }
0x8: {  	s5 =	sshrl.u32 s1, $0x1;
	s2 =	simm.s32 $0x0;
	s30 =	sshll.u32 s1, $0xE  }
0x9: {  	s8 =	sshll.u32 s4, $0x8;
	s9 =	sand.u32 $0x200, s28;
	s10 =	sshll.u32 s5, $0xA  }
0xa: {  	[smem:$0x7FF] =	sst s2;
	s29 =	ssub.s32 $0x2, s4;
	s5 =	sshll.u32 s5, $0xF  }
0xb: {  	s4 =	sand.u32 $0x38000, s30;
	s8 =	sor.u32 s8, s9;
	s31 =	sshrl.u32 s29, $0x1  }
0xc: {  	v0 =	vlaneseq.u32;
	_ =	strace $0x80000047;
	s9 =	sor.u32 s10, s8;
	s10 =	ssub.s32 s29, s31  }
0xd: {  	v0 =	vmul.u32 $0x4, v0;
	s5 =	sor.u32 s5, s8;
	s4 =	sor.u32 s8, s4;
	s9 =	sshrl.u32 s9, $0x3  }
0xe: {  	s5 =	sshrl.u32 s5, $0x3;
	s8 =	sshrl.u32 s4, $0x3;
	s9 =	sadd.s32 s9, s3  }
0xf: {  	v1 =	vimm.f32 $0.0e+00;
	v9 =	vimm.f32 $1.000000000e+00;
	v2 =	vor.u32 $0x1, v0;
	s4 =	sadd.s32 s6, s5;
	s5 =	sadd.s32 s7, s5;
	s8 =	sor.u32 $0x10, s8  }
0x10: {  	v3 =	vor.u32 $0x2, v0;
	v4 =	vor.u32 $0x3, v0;
	v5 =	vor.u32 $0x80, v0;
	s3 =	sadd.s32 $0x400, s9;
	s6 =	sadd.s32 s6, s8;
	s7 =	sadd.s32 s7, s8  }
0x11: {  	v6 =	vor.u32 $0x81, v0;
	v7 =	vor.u32 $0x82, v0;
	v8 =	vor.u32 $0x83, v0;
	s8 =	sadd.s32 $0x800, s9;
	s9 =	smax.u32 s10, $0x1;
	s10 =	simm.s32 $0x1C700  }
.LBB2_1:
0x12: {  	[tilespmem:s10], [sflag:$0x1] =	stream.linear.gather [hbm4b:s3+s2], $0x100, $0x38;
	[tilespmem:$0x1C900] =	vst v63  }
0x13: {  	s18 =	simm.s32 $0x18700  }
0x14: {  	s19 =	simm.s32 $0x80;
	s21 =	sadd.s32 $0x0, s4;
	s20 =	simm.s32 $0x18800  }
.LBB2_2:
0x15: {  	[tilespmem:s18], [sflag:$0x2] =	stream.linear.gather [hbm4b:s21+s2], $0x80, $0x38;
	[tilespmem:$0x1C900] =	vst v63  }
0x16: {  	s21 =	smov.u32 s19;
	s18 =	smov.u32 s20;
	p0 =	sne.s32 s19, $0xF80  }
.Ltmp0:
0x17: {  	s19 =	sadd.s32 $0x80, s19;
	(pc) =	sbr.rel @p0 .LBB2_2-.Ltmp0, $2  }
0x18: {  	_ =	sdelay $0x2  }
0x19: {  	s20 =	sadd.s32 $0x100, s20;
	s21 =	sadd.s32 s21, s4  }
0x1a: {  	[tilespmem:s18], [sflag:$0x2] =	stream.linear.gather [hbm4b:s21+s2], $0x80, $0x38;
	[tilespmem:$0x1C900] =	vst v63  }
0x1b: {  	s18 =	simm.s32 $0x1A700  }
0x1c: {  	s19 =	simm.s32 $0x80;
	s21 =	sadd.s32 $0x0, s5;
	s20 =	simm.s32 $0x1A800  }
.LBB2_4:
0x1d: {  	[tilespmem:s18], [sflag:$0x2] =	stream.linear.gather [hbm4b:s21+s2], $0x80, $0x38;
	[tilespmem:$0x1C900] =	vst v63  }
0x1e: {  	s21 =	smov.u32 s19;
	s18 =	smov.u32 s20;
	p0 =	sne.s32 s19, $0xF80  }
.Ltmp1:
0x1f: {  	s19 =	sadd.s32 $0x80, s19;
	(pc) =	sbr.rel @p0 .LBB2_4-.Ltmp1, $2  }
0x20: {  	_ =	sdelay $0x2  }
0x21: {  	s20 =	sadd.s32 $0x100, s20;
	s21 =	sadd.s32 s21, s5  }
0x22: {  	[tilespmem:s18], [sflag:$0x2] =	stream.linear.gather [hbm4b:s21+s2], $0x80, $0x38;
	[tilespmem:$0x1C900] =	vst v63  }
0x23: {  	s18 =	simm.s32 $0x18780  }
0x24: {  	s19 =	simm.s32 $0x80;
	s21 =	sadd.s32 $0x0, s6;
	s20 =	simm.s32 $0x18880  }
.LBB2_6:
0x25: {  	[tilespmem:s18], [sflag:$0x3] =	stream.linear.gather [hbm4b:s21+s2], $0x80, $0x38;
	[tilespmem:$0x1C900] =	vst v63  }
0x26: {  	s21 =	smov.u32 s19;
	s18 =	smov.u32 s20;
	p0 =	sne.s32 s19, $0xF80  }
.Ltmp2:
0x27: {  	s19 =	sadd.s32 $0x80, s19;
	(pc) =	sbr.rel @p0 .LBB2_6-.Ltmp2, $2  }
0x28: {  	_ =	sdelay $0x2  }
0x29: {  	s20 =	sadd.s32 $0x100, s20;
	s21 =	sadd.s32 s21, s6  }
0x2a: {  	[tilespmem:s18], [sflag:$0x3] =	stream.linear.gather [hbm4b:s21+s2], $0x80, $0x38;
	[tilespmem:$0x1C900] =	vst v63  }
0x2b: {  	s18 =	simm.s32 $0x1A780  }
0x2c: {  	s19 =	simm.s32 $0x80;
	s21 =	sadd.s32 $0x0, s7;
	s20 =	simm.s32 $0x1A880  }
.LBB2_8:
0x2d: {  	[tilespmem:s18], [sflag:$0x3] =	stream.linear.gather [hbm4b:s21+s2], $0x80, $0x38;
	[tilespmem:$0x1C900] =	vst v63  }
0x2e: {  	s21 =	smov.u32 s19;
	s18 =	smov.u32 s20;
	p0 =	sne.s32 s19, $0xF80  }
.Ltmp3:
0x2f: {  	s19 =	sadd.s32 $0x80, s19;
	(pc) =	sbr.rel @p0 .LBB2_8-.Ltmp3, $2  }
0x30: {  	_ =	sdelay $0x2  }
0x31: {  	s20 =	sadd.s32 $0x100, s20;
	s21 =	sadd.s32 s21, s7  }
0x32: {  	[tilespmem:s18], [sflag:$0x3] =	stream.linear.gather [hbm4b:s21+s2], $0x80, $0x38;
	[tilespmem:$0x1C900] =	vst v63  }
0x33: {  	_ =	swait.ge [sflag:s11], $0x100  }
0x34: {  	[sflag:s11] =	ssyncset.done $0x0  }
0x35: {  	[sflag:s11] =	ssyncadd.s32 $0xFFFFFF00  }
0x36: {  	v17 =	vld.idx.msk [tilespmem:v0+s10+$0x0], $0xffff;
	_ =	sdelay $0x7  }
0x37: {  	[tilespmem:v17+s2+$0x0] =	vst.idx.msk $0xffff, v1  }
0x38: {  	v14 =	vld.idx.msk [tilespmem:v2+s10+$0x0], $0xffff;
	_ =	sdelay $0x7  }
0x39: {  	[tilespmem:v14+s2+$0x0] =	vst.idx.msk $0xffff, v1  }
0x3a: {  	v15 =	vld.idx.msk [tilespmem:v3+s10+$0x0], $0xffff;
	_ =	sdelay $0x7  }
0x3b: {  	[tilespmem:v15+s2+$0x0] =	vst.idx.msk $0xffff, v1  }
0x3c: {  	v16 =	vld.idx.msk [tilespmem:v4+s10+$0x0], $0xffff;
	_ =	sdelay $0x7  }
0x3d: {  	[tilespmem:v16+s2+$0x0] =	vst.idx.msk $0xffff, v1  }
0x3e: {  	v13 =	vld.idx.msk [tilespmem:v5+s10+$0x0], $0xffff;
	_ =	sdelay $0x7  }
0x3f: {  	[tilespmem:v13+s12+$0x0] =	vst.idx.msk $0xffff, v1  }
0x40: {  	v10 =	vld.idx.msk [tilespmem:v6+s10+$0x0], $0xffff;
	_ =	sdelay $0x7  }
0x41: {  	[tilespmem:v10+s12+$0x0] =	vst.idx.msk $0xffff, v1  }
0x42: {  	v11 =	vld.idx.msk [tilespmem:v7+s10+$0x0], $0xffff;
	_ =	sdelay $0x7  }
0x43: {  	[tilespmem:v11+s12+$0x0] =	vst.idx.msk $0xffff, v1  }
0x44: {  	v12 =	vld.idx.msk [tilespmem:v8+s10+$0x0], $0xffff;
	_ =	sdelay $0x7  }
0x45: {  	[tilespmem:v12+s12+$0x0] =	vst.idx.msk $0xffff, v1  }
0x46: {  	_ =	swait.ge [sflag:s13], $0x1000  }
0x47: {  	[sflag:s13] =	ssyncset.done $0x0  }
0x48: {  	[sflag:s13] =	ssyncadd.s32 $0xFFFFF000  }
0x49: {  	_ =	swait.ge [sflag:s13], $0x1000  }
0x4a: {  	[sflag:s13] =	ssyncset.done $0x0  }
0x4b: {  	s19 =	simm.s32 $0x18740;
	[sflag:s13] =	ssyncadd.s32 $0xFFFFF000  }
0x4c: {  	v18 =	vld [tilespmem:s19+$0x30]  }
0x4d: {  	v19 =	vld [tilespmem:s19+$0xFFFFFFD0]  }
0x4e: {  	s18 =	simm.s32 $0x1A740;
	v20 =	vld [tilespmem:s19+$0xFFFFFFE0]  }
0x4f: {  	v21 =	vld [tilespmem:s18+$0x30]  }
0x50: {  	v22 =	vld [tilespmem:s19+$0xFFFFFFF0]  }
0x51: {  	v23 =	vld [tilespmem:s19+$0x0]  }
0x52: {  	v24 =	vld [tilespmem:s19+$0x10]  }
0x53: {  	v25 =	vld [tilespmem:s19+$0x20]  }
0x54: {  	v63 =	vld [tilespmem:s18+$0xFFFFFFC0]  }
0x55: {  	v26 =	vld [tilespmem:s18+$0xFFFFFFD0]  }
0x56: {  	v27 =	vld [tilespmem:s18+$0xFFFFFFE0]  }
0x57: {  	v28 =	vld [tilespmem:s18+$0xFFFFFFF0]  }
0x58: {  	v29 =	vld [tilespmem:s18+$0x0]  }
0x59: {  	v30 =	vld [tilespmem:s18+$0x10]  }
0x5a: {  	[tilespmem:v18+s2+$0x0] =	vst.idx.add.f32.msk $0xffff, v21  }
0x5b: {  	v18 =	vld [tilespmem:s19+$0xFFFFFFC0]  }
0x5c: {  	v31 =	vld [tilespmem:s18+$0x20]  }
0x5d: {  	[tilespmem:v19+s2+$0x0] =	vst.idx.add.f32.msk $0xffff, v26  }
0x5e: {  	[tilespmem:v20+s2+$0x0] =	vst.idx.add.f32.msk $0xffff, v27  }
0x5f: {  	[tilespmem:v22+s2+$0x0] =	vst.idx.add.f32.msk $0xffff, v28  }
0x60: {  	[tilespmem:v23+s2+$0x0] =	vst.idx.add.f32.msk $0xffff, v29  }
0x61: {  	[tilespmem:v24+s2+$0x0] =	vst.idx.add.f32.msk $0xffff, v30  }
0x62: {  	[tilespmem:v25+s2+$0x0] =	vst.idx.add.f32.msk $0xffff, v31  }
0x63: {  	s20 =	simm.s32 $0x18840;
	s19 =	simm.s32 $0x0;
	[tilespmem:v18+s2+$0x0] =	vst.idx.add.f32.msk $0xffff, v63  }
.LBB2_10:
0x64: {  	v18 =	vld [tilespmem:s20+$0x30];
	s19 =	sadd.s32 $0x8, s19  }
0x65: {  	v19 =	vld [tilespmem:s20+$0xFFFFFFD0];
	p0 =	slt.u32 s19, $0xF8  }
0x66: {  	s18 =	sadd.s32 $0x100, s18;
	v20 =	vld [tilespmem:s20+$0xFFFFFFE0]  }
0x67: {  	v21 =	vld [tilespmem:s18+$0x30]  }
0x68: {  	v22 =	vld [tilespmem:s20+$0xFFFFFFF0]  }
0x69: {  	v23 =	vld [tilespmem:s20+$0x0]  }
0x6a: {  	v24 =	vld [tilespmem:s20+$0x10]  }
0x6b: {  	v25 =	vld [tilespmem:s20+$0x20]  }
0x6c: {  	[tilespmem:v18+s2+$0x0] =	vst.idx.add.f32.msk $0xffff, v21  }
0x6d: {  	v18 =	vld [tilespmem:s20+$0xFFFFFFC0]  }
0x6e: {  	v21 =	vld [tilespmem:s18+$0xFFFFFFC0]  }
0x6f: {  	v26 =	vld [tilespmem:s18+$0xFFFFFFD0]  }
0x70: {  	v27 =	vld [tilespmem:s18+$0xFFFFFFE0]  }
0x71: {  	v28 =	vld [tilespmem:s18+$0xFFFFFFF0]  }
0x72: {  	v29 =	vld [tilespmem:s18+$0x0]  }
0x73: {  	v30 =	vld [tilespmem:s18+$0x10]  }
0x74: {  	v31 =	vld [tilespmem:s18+$0x20]  }
0x75: {  	[tilespmem:v18+s2+$0x0] =	vst.idx.add.f32.msk $0xffff, v21  }
0x76: {  	[tilespmem:v19+s2+$0x0] =	vst.idx.add.f32.msk $0xffff, v26  }
.Ltmp4:
0x77: {  	[tilespmem:v20+s2+$0x0] =	vst.idx.add.f32.msk $0xffff, v27;
	(pc) =	sbr.rel @p0 .LBB2_10-.Ltmp4, $4  }
0x78: {  	[tilespmem:v22+s2+$0x0] =	vst.idx.add.f32.msk $0xffff, v28  }
0x79: {  	[tilespmem:v23+s2+$0x0] =	vst.idx.add.f32.msk $0xffff, v29  }
0x7a: {  	[tilespmem:v24+s2+$0x0] =	vst.idx.add.f32.msk $0xffff, v30  }
0x7b: {  	s20 =	sadd.s32 $0x100, s20;
	[tilespmem:v25+s2+$0x0] =	vst.idx.add.f32.msk $0xffff, v31  }
0x7c: {  	_ =	swait.ge [sflag:s14], $0x1000  }
0x7d: {  	[sflag:s14] =	ssyncset.done $0x0  }
0x7e: {  	[sflag:s14] =	ssyncadd.s32 $0xFFFFF000  }
0x7f: {  	_ =	swait.ge [sflag:s14], $0x1000  }
0x80: {  	[sflag:s14] =	ssyncset.done $0x0  }
0x81: {  	s19 =	simm.s32 $0x187F0;
	[sflag:s14] =	ssyncadd.s32 $0xFFFFF000  }
0x82: {  	v18 =	vld [tilespmem:s19+$0x0]  }
0x83: {  	v19 =	vld [tilespmem:s19+$0xFFFFFFA0]  }
0x84: {  	s18 =	simm.s32 $0x1A7F0;
	v20 =	vld [tilespmem:s19+$0xFFFFFFB0]  }
0x85: {  	v21 =	vld [tilespmem:s18+$0x0]  }
0x86: {  	v22 =	vld [tilespmem:s19+$0xFFFFFFC0]  }
0x87: {  	v23 =	vld [tilespmem:s19+$0xFFFFFFD0]  }
0x88: {  	v24 =	vld [tilespmem:s19+$0xFFFFFFE0]  }
0x89: {  	v25 =	vld [tilespmem:s19+$0xFFFFFFF0]  }
0x8a: {  	v63 =	vld [tilespmem:s18+$0xFFFFFF90]  }
0x8b: {  	v26 =	vld [tilespmem:s18+$0xFFFFFFA0]  }
0x8c: {  	v27 =	vld [tilespmem:s18+$0xFFFFFFB0]  }
0x8d: {  	v28 =	vld [tilespmem:s18+$0xFFFFFFC0]  }
0x8e: {  	v29 =	vld [tilespmem:s18+$0xFFFFFFD0]  }
0x8f: {  	v30 =	vld [tilespmem:s18+$0xFFFFFFE0]  }
0x90: {  	[tilespmem:v18+s12+$0x0] =	vst.idx.add.f32.msk $0xffff, v21  }
0x91: {  	v18 =	vld [tilespmem:s19+$0xFFFFFF90]  }
0x92: {  	v31 =	vld [tilespmem:s18+$0xFFFFFFF0]  }
0x93: {  	[tilespmem:v19+s12+$0x0] =	vst.idx.add.f32.msk $0xffff, v26  }
0x94: {  	[tilespmem:v20+s12+$0x0] =	vst.idx.add.f32.msk $0xffff, v27  }
0x95: {  	[tilespmem:v22+s12+$0x0] =	vst.idx.add.f32.msk $0xffff, v28  }
0x96: {  	[tilespmem:v23+s12+$0x0] =	vst.idx.add.f32.msk $0xffff, v29  }
0x97: {  	[tilespmem:v24+s12+$0x0] =	vst.idx.add.f32.msk $0xffff, v30  }
0x98: {  	[tilespmem:v25+s12+$0x0] =	vst.idx.add.f32.msk $0xffff, v31  }
0x99: {  	s20 =	simm.s32 $0x188F0;
	s19 =	simm.s32 $0x0;
	[tilespmem:v18+s12+$0x0] =	vst.idx.add.f32.msk $0xffff, v63  }
.LBB2_12:
0x9a: {  	v18 =	vld [tilespmem:s20+$0x0];
	s19 =	sadd.s32 $0x8, s19  }
0x9b: {  	v19 =	vld [tilespmem:s20+$0xFFFFFFA0];
	p0 =	slt.u32 s19, $0xF8  }
0x9c: {  	s18 =	sadd.s32 $0x100, s18;
	v20 =	vld [tilespmem:s20+$0xFFFFFFB0]  }
0x9d: {  	v21 =	vld [tilespmem:s18+$0x0]  }
0x9e: {  	v22 =	vld [tilespmem:s20+$0xFFFFFFC0]  }
0x9f: {  	v23 =	vld [tilespmem:s20+$0xFFFFFFD0]  }
0xa0: {  	v24 =	vld [tilespmem:s20+$0xFFFFFFE0]  }
0xa1: {  	v25 =	vld [tilespmem:s20+$0xFFFFFFF0]  }
0xa2: {  	[tilespmem:v18+s12+$0x0] =	vst.idx.add.f32.msk $0xffff, v21  }
0xa3: {  	v18 =	vld [tilespmem:s20+$0xFFFFFF90]  }
0xa4: {  	v21 =	vld [tilespmem:s18+$0xFFFFFF90]  }
0xa5: {  	v26 =	vld [tilespmem:s18+$0xFFFFFFA0]  }
0xa6: {  	v27 =	vld [tilespmem:s18+$0xFFFFFFB0]  }
0xa7: {  	v28 =	vld [tilespmem:s18+$0xFFFFFFC0]  }
0xa8: {  	v29 =	vld [tilespmem:s18+$0xFFFFFFD0]  }
0xa9: {  	v30 =	vld [tilespmem:s18+$0xFFFFFFE0]  }
0xaa: {  	v31 =	vld [tilespmem:s18+$0xFFFFFFF0]  }
0xab: {  	[tilespmem:v18+s12+$0x0] =	vst.idx.add.f32.msk $0xffff, v21  }
0xac: {  	[tilespmem:v19+s12+$0x0] =	vst.idx.add.f32.msk $0xffff, v26  }
.Ltmp5:
0xad: {  	[tilespmem:v20+s12+$0x0] =	vst.idx.add.f32.msk $0xffff, v27;
	(pc) =	sbr.rel @p0 .LBB2_12-.Ltmp5, $4  }
0xae: {  	[tilespmem:v22+s12+$0x0] =	vst.idx.add.f32.msk $0xffff, v28  }
0xaf: {  	[tilespmem:v23+s12+$0x0] =	vst.idx.add.f32.msk $0xffff, v29  }
0xb0: {  	[tilespmem:v24+s12+$0x0] =	vst.idx.add.f32.msk $0xffff, v30  }
0xb1: {  	s20 =	sadd.s32 $0x100, s20;
	[tilespmem:v25+s12+$0x0] =	vst.idx.add.f32.msk $0xffff, v31  }
0xb2: {  	vm0 =	veq.s32 v17, $0x0;
	vm1 =	veq.s32 v14, $0x0  }
0xb3: {  	v18 =	vsel vm0, $0x0, v9;
	v19 =	vsel vm1, $0x0, v9  }
0xb4: {  	vm10 =	veq.s32 v15, $0x0;
	v18 =	vadd.f32 v19, v18  }
0xb5: {  	v50 =	vsel vm10, $0x0, v9  }
0xb6: {  	vm11 =	veq.s32 v16, $0x0;
	v18 =	vadd.f32 v50, v18  }
0xb7: {  	v51 =	vld.idx.msk [tilespmem:v17+s2+$0x0], $0xffff;
	v52 =	vsel vm11, $0x0, v9  }
0xb8: {  	v18 =	vadd.f32 v52, v18  }
0xb9: {  	v53 =	vld.idx.msk [tilespmem:v14+s2+$0x0], $0xffff  }
0xba: {  	(erf) = vrcp.f32 v18  }
0xbb: {  	v54 =	vld.idx.msk [tilespmem:v15+s2+$0x0], $0xffff  }
0xbc: {  	v17 =	vadd.f32 $0.0e+00, v51  }
0xbd: {  	v55 =	vld.idx.msk [tilespmem:v16+s2+$0x0], $0xffff  }
0xbe: {  	v14 =	vadd.f32 v53, v17;
	_ =	sdelay $0x1  }
0xbf: {  	v14 =	vadd.f32 v54, v14;
	_ =	sdelay $0x1  }
0xc0: {  	vm12 =	veq.s32 v13, $0x0;
	vm13 =	veq.s32 v10, $0x0;
	v14 =	vadd.f32 v55, v14  }
0xc1: {  	v56 =	vsel vm12, $0x0, v9;
	v58 =	vsel vm13, $0x0, v9;
	v57 =	vpop (erf)  }
0xc2: {  	vm14 =	veq.s32 v11, $0x0;
	v15 =	vadd.f32 v58, v56;
	v14 =	vmul.f32 v14, v57  }
0xc3: {  	v59 =	vsel vm14, $0x0, v9  }
0xc4: {  	vm15 =	veq.s32 v12, $0x0;
	v60 =	vadd.f32 v59, v15;
	[tilespmem:$0x1C800] =	vst v14  }
0xc5: {  	v62 =	vsel vm15, $0x0, v9;
	v61 =	vld.idx.msk [tilespmem:v13+s12+$0x0], $0xffff  }
0xc6: {  	v14 =	vadd.f32 v62, v60  }
0xc7: {  	v10 =	vld.idx.msk [tilespmem:v10+s12+$0x0], $0xffff  }
0xc8: {  	(erf) = vrcp.f32 v14  }
0xc9: {  	v11 =	vld.idx.msk [tilespmem:v11+s12+$0x0], $0xffff  }
0xca: {  	v13 =	vadd.f32 $0.0e+00, v61  }
0xcb: {  	v63 =	vld.idx.msk [tilespmem:v12+s12+$0x0], $0xffff  }
0xcc: {  	v10 =	vadd.f32 v10, v13;
	_ =	sdelay $0x1  }
0xcd: {  	v10 =	vadd.f32 v11, v10;
	_ =	sdelay $0x1  }
0xce: {  	v10 =	vadd.f32 v63, v10  }
0xcf: {  	v11 =	vpop (erf)  }
0xd0: {  	s17 =	sadd.s32 $0x1, s17;
	v10 =	vmul.f32 v10, v11  }
0xd1: {  	p0 =	sne.s32 s17, s9  }
.Ltmp6:
0xd2: {  	[tilespmem:$0x1C880] =	vst v10;
	(pc) =	sbr.rel @p0 .LBB2_1-.Ltmp6, $4  }
0xd3: {  	[hbm4b:s8+s2] =	stream.linear.scatter [tilespmem:s15], [sflag:$0x4], $0x100, $0x38;
	[tilespmem:$0x1C900] =	vst v63  }
0xd4: {  	_ =	swait.ge [sflag:s16], $0x100  }
0xd5: {  	[sflag:s16] =	ssyncset.done $0x0  }
0xd6: {  	[sflag:s16] =	ssyncadd.s32 $0xFFFFFF00  }
0xd7: {  	_ =	sfence.sel $0x180000  }
0xd8: {  	[bflag:$0x0] =	sbarrier.arrive $0xFFFF  }
0xd9: {  	p0 =	sne.s32 s1, $0x0;
	_ =	strace $0x90000047  }
0xda: {  	s0 =	sadd.s32 @!p0 $0x100000, s0;
	[bflag:$0x2] =	sbarrier.arrive $0xFFFF  }
0xdb: {  	[sflag:s0] =	ssyncadd.tile.s32 @!p0 $0x1;
	_ =	shalt  }
.Lfunc_end2:
_tile_overlayer_lowered:
.L_overlay_start_2:
0xdc: {  	(tag) =	ssettag $0x2  }
0xdd: {  	s0 =	rddreg [dreg:$0x0];
	s2 =	stileid.u32  }
0xde: {  	s1 =	rddreg [dreg:$0x1];
	p0 =	sne.s32 s2, $0x0  }
0xdf: {  	s3 =	rddreg [dreg:$0x2];
	[bflag:$0x3] =	sbarrier.arrive $0xFFFF;
	s2 =	simm.s32 @!p0 $0x1C04  }
0xe0: {  	[timem:s3], [sflag:s2] =	dma.local @!p0 [hbm:s0], s1  }
0xe1: {  	s0 =	simm.s32 @!p0 $0x4  }
0xe2: {  	_ =	swait.ge @!p0 [sflag:s0], s1  }
0xe3: {  	s1 =	ssub.s32 @!p0 $0x0, s1;
	[sflag:s0] =	ssyncset.done @!p0 $0x0  }
0xe4: {  	[sflag:s0] =	ssyncadd.s32 @!p0 s1  }
0xe5: {  	[bflag:$0x3] =	sbarrier.arrive $0xFFFF  }
0xe6: {  	_ =	shalt  }

</sc_bundles>
